<compile_context>
chip_gen: v7x
topology: tpu7x:2x2x1
jax: 0.10.2.dev20260603
libtpu: 0.0.44.dev20260713+nightly
codegen_flags: <defaults>
</compile_context>

<pallas_src>
import functools

import jax
import jax.numpy as jnp
from jax import lax
from jax.experimental import pallas as pl
from jax.experimental.pallas import tpu as pltpu
from jax.experimental.pallas import tpu_sc as plsc

VOCAB = 1000000
D = 64
B = 4096
L = 200

NC = 2
NS = 16
NW = NC * NS
BW = B // NW
NPAIR = L // 2

TCHUNK = 8192


def _repack_body(wt_ref, o_ref):
    r = lax.broadcasted_iota(jnp.int32, (D, D), 0)
    c = lax.broadcasted_iota(jnp.int32, (D, D), 1)
    eye = (r == c).astype(jnp.float32)
    t = lax.dot_general(
        wt_ref[...], eye, (((0,), (0,)), ((), ())),
        precision=lax.Precision.HIGHEST,
        preferred_element_type=jnp.float32,
    )
    o_ref[...] = jnp.concatenate([t, t], axis=1)


def _emb_body(xt_hbm, w_hbm, out_hbm, idx_v, stg0, stg1, str0, str1,
              gsem0, gsem1, wsem0, wsem1):
    wid = lax.axis_index("s") * NC + lax.axis_index("c")
    b0 = wid * BW
    pltpu.sync_copy(xt_hbm.at[pl.ds(0, L), pl.ds(b0, BW)], idx_v)
    iota = lax.iota(jnp.int32, 16)

    def fire_gather(l, stg, gsem):
        pltpu.async_copy(w_hbm.at[idx_v.at[l]], stg, gsem)

    def drain_gather(stg, gsem):
        pltpu.make_async_copy(w_hbm.at[idx_v.at[0]], stg, gsem).wait()

    def transpose_l(stg, strip):
        def bg_body(bg, carry):
            b16 = bg * 16 + iota

            @plsc.parallel_loop(0, D, 1, unroll=16)
            def c_body(c):
                cp16 = (c + b16) & 63
                val = plsc.load_gather(stg, [b16, cp16])
                plsc.store_scatter(strip, [cp16, b16], val)
            return carry

        lax.fori_loop(0, BW // 16, bg_body, 0)

    def step(q, carry):
        l0 = 2 * q
        drain_gather(stg0, gsem0)
        fire_gather(l0 + 1, stg1, gsem1)

        @pl.when(q > 0)
        def _():
            pltpu.make_async_copy(
                str0, out_hbm.at[l0, :, pl.ds(b0, BW)], wsem0
            ).wait()
        transpose_l(stg0, str0)
        pltpu.async_copy(str0, out_hbm.at[l0, :, pl.ds(b0, BW)], wsem0)

        @pl.when(q + 1 < NPAIR)
        def _():
            fire_gather(l0 + 2, stg0, gsem0)

        drain_gather(stg1, gsem1)

        @pl.when(q > 0)
        def _():
            pltpu.make_async_copy(
                str1, out_hbm.at[l0, :, pl.ds(b0, BW)], wsem1
            ).wait()
        transpose_l(stg1, str1)
        pltpu.async_copy(str1, out_hbm.at[l0 + 1, :, pl.ds(b0, BW)], wsem1)
        return carry

    fire_gather(0, stg0, gsem0)
    lax.fori_loop(0, NPAIR, step, 0)
    pltpu.make_async_copy(str0, out_hbm.at[0, :, pl.ds(b0, BW)], wsem0).wait()
    pltpu.make_async_copy(str1, out_hbm.at[0, :, pl.ds(b0, BW)], wsem1).wait()


@jax.jit
def _embedding_lookup(xt, Wt):
    n_chunks = (VOCAB + TCHUNK - 1) // TCHUNK
    Wp = pl.pallas_call(
        _repack_body,
        grid=(n_chunks,),
        in_specs=[pl.BlockSpec((D, TCHUNK), lambda i: (0, i))],
        out_specs=pl.BlockSpec((TCHUNK, 2 * D), lambda i: (i, 0)),
        out_shape=jax.ShapeDtypeStruct((VOCAB, 2 * D), jnp.float32),
    )(Wt)

    f = functools.partial(
        pl.kernel,
        mesh=plsc.VectorSubcoreMesh(core_axis_name="c", subcore_axis_name="s"),
        out_type=jax.ShapeDtypeStruct((L, D, B), jnp.float32),
        scratch_types=[
            pltpu.VMEM((L, BW), jnp.int32),
            pltpu.VMEM((BW, 128), jnp.float32),
            pltpu.VMEM((BW, 128), jnp.float32),
            pltpu.VMEM((D, BW), jnp.float32),
            pltpu.VMEM((D, BW), jnp.float32),
            pltpu.SemaphoreType.DMA,
            pltpu.SemaphoreType.DMA,
            pltpu.SemaphoreType.DMA,
            pltpu.SemaphoreType.DMA,
        ],
        compiler_params=pltpu.CompilerParams(
            use_tc_tiling_on_sc=True, needs_layout_passes=False
        ),
    )(_emb_body)
    return f(xt, Wp)


def kernel(x, W):
    out_t = _embedding_lookup(x.T, W.T)
    return jnp.transpose(out_t, (2, 0, 1))

# --- scband reference (transcript-rebuilt; emitter-appended) ---
"""Pipeline reference for scband-tpembedding-11733850653108 (READ-ONLY COPY).

The authoritative reference and input builder live on the scoring server;
editing this copy changes nothing except your own understanding.
"""

import jax, jax.numpy as jnp
import numpy as np

VOCAB = 1000000
D = 64
TP = 4
B = 4096
L = 200


def setup_inputs(seed: int = 0) -> dict:
    key = jax.random.key(seed)
    k1, k2 = jax.random.split(key)
    x = jax.random.randint(k1, (B, L), 0, VOCAB, dtype=jnp.int32)
    # Embedding table (learned parameter), full un-sharded weight [vocab, d]
    W = jax.random.normal(k2, (VOCAB, D), dtype=jnp.float32) * 0.02
    return {"x": x, "W": W}


def reference(x, W):
    tp = TP
    vocab, d = W.shape
    # parallelize(): weight reshaped [vocab, tp, d/tp] -> permute -> [tp, vocab, d/tp]
    W_sh = jnp.transpose(W.reshape(vocab, tp, d // tp), (1, 0, 2))
    # per-replica embedding lookup; the leading tp axis plays the role of the
    # cross-replica all_gather in collectives.all_gather_cross_replica
    y = jnp.take(W_sh, x, axis=1)  # [tp, B, L, d/tp]
    # y.permute(0, 3, 1, 2)
    y = jnp.transpose(y, (0, 3, 1, 2))  # [tp, d/tp, B, L]
    # reshape([tp * d/tp, B, L])
    y = y.reshape(y.shape[0] * y.shape[1], y.shape[2], y.shape[3])  # [d, B, L]
    # y.permute(1, 2, 0)
    y = jnp.transpose(y, (1, 2, 0))  # [B, L, d]
    return y

if __name__ == "__main__":
    import jax
    _d = setup_inputs()
    print(jax.jit(kernel)(*tuple(_d.values())))

</pallas_src>

<mosaic_0001>
#map = affine_map<(d0, d1) -> (0, 0)>
#map1 = affine_map<(d0, d1) -> (0, 0, 0)>
module attributes {stable_mosaic.version = 14 : i64} {
  func.func @_emb_body(%arg0: i32, %arg1: i32, %arg2: memref<200x4096xi32, #tpu.memory_space<hbm>>, %arg3: memref<1000000x128xf32, #tpu.memory_space<hbm>>, %arg4: memref<200x64x4096xf32, #tpu.memory_space<hbm>>, %arg5: memref<200x128xi32, #tpu.memory_space<vmem>>, %arg6: memref<128x128xf32, #tpu.memory_space<vmem>>, %arg7: memref<128x128xf32, #tpu.memory_space<vmem>>, %arg8: memref<64x128xf32, #tpu.memory_space<vmem>>, %arg9: memref<64x128xf32, #tpu.memory_space<vmem>>, %arg10: memref<!tpu.dma_semaphore, #tpu.memory_space<semaphore_mem>>, %arg11: memref<!tpu.dma_semaphore, #tpu.memory_space<semaphore_mem>>, %arg12: memref<!tpu.dma_semaphore, #tpu.memory_space<semaphore_mem>>, %arg13: memref<!tpu.dma_semaphore, #tpu.memory_space<semaphore_mem>>) attributes {dimension_semantics = [#tpu.dimension_semantics<core_parallel>, #tpu.dimension_semantics<subcore_parallel>], iteration_bounds = array<i64: 2, 16>, scalar_prefetch = 0 : i64, scratch_operands = 9 : i64, tpu.core_type = #tpu.core_type<sc_vector_subcore>, window_params = [{transform_indices = #map}, {transform_indices = #map}, {transform_indices = #map1}]} {
    %mul3A = arith.constant 2 : i32
    %mul3A_0 = arith.muli %arg1, %mul3A : i32
    %add3A = arith.addi %mul3A_0, %arg0 : i32
    %mul3A_1 = arith.constant 128 : i32
    %mul3A_2 = arith.muli %add3A, %mul3A_1 : i32
    "tpu.region"() ({
      %run_scoped3A = tpu.sem_alloc : memref<!tpu.dma_semaphore, #tpu.memory_space<semaphore_mem>>
      %dma_start3A_27 = arith.constant 0 : i32
      %dma_start3A_28 = tpu.memref_slice %arg2[%dma_start3A_27, %mul3A_2] : memref<200x4096xi32, #tpu.memory_space<hbm>> -> memref<200x128xi32, #tpu.memory_space<hbm>>
      %dma_start3A_29 = arith.constant 0 : i32
      %dma_start3A_30 = tpu.memref_slice %arg2[%dma_start3A_29, %mul3A_2] : memref<200x4096xi32, #tpu.memory_space<hbm>> -> memref<200x128xi32, #tpu.memory_space<hbm>>
      tpu.enqueue_dma source(%dma_start3A_30 : memref<200x128xi32, #tpu.memory_space<hbm>>) target(%arg5 : memref<200x128xi32, #tpu.memory_space<vmem>>) target_semaphore(%run_scoped3A : memref<!tpu.dma_semaphore, #tpu.memory_space<semaphore_mem>>)
      %dma_wait3A_31 = arith.constant 0 : i32
      %dma_wait3A_32 = tpu.memref_slice %arg2[%dma_wait3A_31, %mul3A_2] : memref<200x4096xi32, #tpu.memory_space<hbm>> -> memref<200x128xi32, #tpu.memory_space<hbm>>
      %dma_wait3A_33 = arith.constant 0 : i32
      %dma_wait3A_34 = tpu.memref_slice %arg2[%dma_wait3A_33, %mul3A_2] : memref<200x4096xi32, #tpu.memory_space<hbm>> -> memref<200x128xi32, #tpu.memory_space<hbm>>
      tpu.wait_dma2 semaphore(%run_scoped3A : memref<!tpu.dma_semaphore, #tpu.memory_space<semaphore_mem>>) src(%dma_wait3A_34 : memref<200x128xi32, #tpu.memory_space<hbm>>) dst(%arg5 : memref<200x128xi32, #tpu.memory_space<vmem>>)
      tpu.yield
    }) : () -> ()
    %iota3A = tpu.iota {dimensions = array<i32: 0>} : vector<16xi32>
    %dma_start3A = arith.constant 0 : i32
    %dma_start3A_3 = arith.constant 0 : i32
    %dma_start3A_4 = tpu.memref_slice %arg5[%dma_start3A, %dma_start3A_3] : memref<200x128xi32, #tpu.memory_space<vmem>> -> memref<1x128xi32, #tpu.memory_space<vmem>>
    %dma_start3A_5 = tpu.memref_squeeze %dma_start3A_4 : memref<1x128xi32, #tpu.memory_space<vmem>> -> memref<128xi32, #tpu.memory_space<vmem>>
    %dma_start3A_6 = arith.constant 0 : i32
    %dma_start3A_7 = arith.constant 0 : i32
    %dma_start3A_8 = tpu.memref_slice %arg3[%dma_start3A_6, %dma_start3A_7] : memref<1000000x128xf32, #tpu.memory_space<hbm>> -> memref<1000000x128xf32, #tpu.memory_space<hbm>>
    tpu.enqueue_indirect_dma source(%dma_start3A_8 : memref<1000000x128xf32, #tpu.memory_space<hbm>>) target(%arg6 : memref<128x128xf32, #tpu.memory_space<vmem>>) offsets(%dma_start3A_5 : memref<128xi32, #tpu.memory_space<vmem>>) semaphore(%arg10 : memref<!tpu.dma_semaphore, #tpu.memory_space<semaphore_mem>>)
    %scan3A = arith.constant 0 : i32
    %scan3A_9 = arith.constant 0 : i32
    %scan3A_10 = arith.constant 100 : i32
    %scan3A_11 = arith.addi %scan3A_9, %scan3A_10 : i32
    %scan3A_12 = arith.constant 1 : i32
    scf.for %scan3A_27 = %scan3A_9 to %scan3A_11 step %scan3A_12  : i32 {
      %mul3A_28 = arith.constant 2 : i32
      %mul3A_29 = arith.muli %mul3A_28, %scan3A_27 : i32
      %dma_wait3A_30 = arith.constant 0 : i32
      %dma_wait3A_31 = arith.constant 0 : i32
      %dma_wait3A_32 = tpu.memref_slice %arg5[%dma_wait3A_30, %dma_wait3A_31] : memref<200x128xi32, #tpu.memory_space<vmem>> -> memref<1x128xi32, #tpu.memory_space<vmem>>
      %dma_wait3A_33 = tpu.memref_squeeze %dma_wait3A_32 : memref<1x128xi32, #tpu.memory_space<vmem>> -> memref<128xi32, #tpu.memory_space<vmem>>
      %dma_wait3A_34 = arith.constant 0 : i32
      %dma_wait3A_35 = arith.constant 0 : i32
      %dma_wait3A_36 = tpu.memref_slice %arg3[%dma_wait3A_34, %dma_wait3A_35] : memref<1000000x128xf32, #tpu.memory_space<hbm>> -> memref<1000000x128xf32, #tpu.memory_space<hbm>>
      tpu.wait_indirect_dma semaphore(%arg10 : memref<!tpu.dma_semaphore, #tpu.memory_space<semaphore_mem>>) src(%dma_wait3A_36 : memref<1000000x128xf32, #tpu.memory_space<hbm>>) dst(%arg6 : memref<128x128xf32, #tpu.memory_space<vmem>>)
      %add3A_37 = arith.constant 1 : i32
      %add3A_38 = arith.addi %mul3A_29, %add3A_37 : i32
      %dma_start3A_39 = arith.constant 0 : i32
      %dma_start3A_40 = tpu.memref_slice %arg5[%add3A_38, %dma_start3A_39] : memref<200x128xi32, #tpu.memory_space<vmem>> -> memref<1x128xi32, #tpu.memory_space<vmem>>
      %dma_start3A_41 = tpu.memref_squeeze %dma_start3A_40 : memref<1x128xi32, #tpu.memory_space<vmem>> -> memref<128xi32, #tpu.memory_space<vmem>>
      %dma_start3A_42 = arith.constant 0 : i32
      %dma_start3A_43 = arith.constant 0 : i32
      %dma_start3A_44 = tpu.memref_slice %arg3[%dma_start3A_42, %dma_start3A_43] : memref<1000000x128xf32, #tpu.memory_space<hbm>> -> memref<1000000x128xf32, #tpu.memory_space<hbm>>
      tpu.enqueue_indirect_dma source(%dma_start3A_44 : memref<1000000x128xf32, #tpu.memory_space<hbm>>) target(%arg7 : memref<128x128xf32, #tpu.memory_space<vmem>>) offsets(%dma_start3A_41 : memref<128xi32, #tpu.memory_space<vmem>>) semaphore(%arg11 : memref<!tpu.dma_semaphore, #tpu.memory_space<semaphore_mem>>)
      %gt3A = arith.constant 0 : i32
      %gt3A_45 = arith.cmpi sgt, %scan3A_27, %gt3A : i32
      %convert_element_type3A = arith.extui %gt3A_45 : i1 to i32
      %cond3A = arith.constant 0 : i32
      %cond3A_46 = arith.cmpi ne, %convert_element_type3A, %cond3A : i32
      scf.if %cond3A_46 {
        %dma_wait3A_91 = arith.constant 0 : i32
        %dma_wait3A_92 = tpu.memref_slice %arg4[%mul3A_29, %dma_wait3A_91, %mul3A_2] : memref<200x64x4096xf32, #tpu.memory_space<hbm>> -> memref<1x64x128xf32, #tpu.memory_space<hbm>>
        %dma_wait3A_93 = tpu.memref_squeeze %dma_wait3A_92 : memref<1x64x128xf32, #tpu.memory_space<hbm>> -> memref<64x128xf32, #tpu.memory_space<hbm>>
        %dma_wait3A_94 = arith.constant 0 : i32
        %dma_wait3A_95 = tpu.memref_slice %arg4[%mul3A_29, %dma_wait3A_94, %mul3A_2] : memref<200x64x4096xf32, #tpu.memory_space<hbm>> -> memref<1x64x128xf32, #tpu.memory_space<hbm>>
        %dma_wait3A_96 = tpu.memref_squeeze %dma_wait3A_95 : memref<1x64x128xf32, #tpu.memory_space<hbm>> -> memref<64x128xf32, #tpu.memory_space<hbm>>
        tpu.wait_dma2 semaphore(%arg12 : memref<!tpu.dma_semaphore, #tpu.memory_space<semaphore_mem>>) src(%arg8 : memref<64x128xf32, #tpu.memory_space<vmem>>) dst(%dma_wait3A_96 : memref<64x128xf32, #tpu.memory_space<hbm>>)
      } else {
      }
      %scan3A_47 = arith.constant 0 : i32
      %scan3A_48 = arith.constant 0 : i32
      %scan3A_49 = arith.constant 8 : i32
      %scan3A_50 = arith.addi %scan3A_48, %scan3A_49 : i32
      %scan3A_51 = arith.constant 1 : i32
      scf.for %scan3A_91 = %scan3A_48 to %scan3A_50 step %scan3A_51  : i32 {
        %mul3A_92 = arith.constant 16 : i32
        %mul3A_93 = arith.muli %scan3A_91, %mul3A_92 : i32
        %add3A_94 = vector.broadcast %mul3A_93 : i32 to vector<16xi32>
        %add3A_95 = arith.addi %add3A_94, %iota3A : vector<16xi32>
        %parallel_loop3A = arith.constant 0 : i32
        %parallel_loop3A_96 = arith.constant 64 : i32
        %parallel_loop3A_97 = arith.constant 1 : i32
        scf.for %parallel_loop3A_98 = %parallel_loop3A to %parallel_loop3A_96 step %parallel_loop3A_97  : i32 {
          %parallel_loop3A_99 = vector.broadcast %parallel_loop3A_98 : i32 to vector<16xi32>
          %parallel_loop3A_100 = arith.addi %parallel_loop3A_99, %add3A_95 : vector<16xi32>
          %parallel_loop3A_101 = arith.constant 63 : i32
          %parallel_loop3A_102 = vector.broadcast %parallel_loop3A_101 : i32 to vector<16xi32>
          %parallel_loop3A_103 = arith.andi %parallel_loop3A_100, %parallel_loop3A_102 : vector<16xi32>
          %parallel_loop3A_104 = tpu.vector_load_idx %arg6[%add3A_95, %parallel_loop3A_103] : memref<128x128xf32, #tpu.memory_space<vmem>>[vector<16xi32>, vector<16xi32>], vector<16xf32>,
          tpu.vector_store_idx %arg8[%parallel_loop3A_103, %add3A_95], %parallel_loop3A_104 : memref<64x128xf32, #tpu.memory_space<vmem>>[vector<16xi32>, vector<16xi32>], vector<16xf32>,
        } {sc.loop_unroll_factor = 16 : i64, sc.parallel_access}
      }
      %scan3A_52 = arith.constant 8 : i32
      %dma_start3A_53 = arith.constant 0 : i32
      %dma_start3A_54 = tpu.memref_slice %arg4[%mul3A_29, %dma_start3A_53, %mul3A_2] : memref<200x64x4096xf32, #tpu.memory_space<hbm>> -> memref<1x64x128xf32, #tpu.memory_space<hbm>>
      %dma_start3A_55 = tpu.memref_squeeze %dma_start3A_54 : memref<1x64x128xf32, #tpu.memory_space<hbm>> -> memref<64x128xf32, #tpu.memory_space<hbm>>
      %dma_start3A_56 = arith.constant 0 : i32
      %dma_start3A_57 = tpu.memref_slice %arg4[%mul3A_29, %dma_start3A_56, %mul3A_2] : memref<200x64x4096xf32, #tpu.memory_space<hbm>> -> memref<1x64x128xf32, #tpu.memory_space<hbm>>
      %dma_start3A_58 = tpu.memref_squeeze %dma_start3A_57 : memref<1x64x128xf32, #tpu.memory_space<hbm>> -> memref<64x128xf32, #tpu.memory_space<hbm>>
      tpu.enqueue_dma source(%arg8 : memref<64x128xf32, #tpu.memory_space<vmem>>) target(%dma_start3A_58 : memref<64x128xf32, #tpu.memory_space<hbm>>) target_semaphore(%arg12 : memref<!tpu.dma_semaphore, #tpu.memory_space<semaphore_mem>>)
      %add3A_59 = arith.constant 1 : i32
      %add3A_60 = arith.addi %scan3A_27, %add3A_59 : i32
      %lt3A = arith.constant 100 : i32
      %lt3A_61 = arith.cmpi slt, %add3A_60, %lt3A : i32
      %convert_element_type3A_62 = arith.extui %lt3A_61 : i1 to i32
      %cond3A_63 = arith.constant 0 : i32
      %cond3A_64 = arith.cmpi ne, %convert_element_type3A_62, %cond3A_63 : i32
      scf.if %cond3A_64 {
        %add3A_91 = arith.constant 2 : i32
        %add3A_92 = arith.addi %mul3A_29, %add3A_91 : i32
        %dma_start3A_93 = arith.constant 0 : i32
        %dma_start3A_94 = tpu.memref_slice %arg5[%add3A_92, %dma_start3A_93] : memref<200x128xi32, #tpu.memory_space<vmem>> -> memref<1x128xi32, #tpu.memory_space<vmem>>
        %dma_start3A_95 = tpu.memref_squeeze %dma_start3A_94 : memref<1x128xi32, #tpu.memory_space<vmem>> -> memref<128xi32, #tpu.memory_space<vmem>>
        %dma_start3A_96 = arith.constant 0 : i32
        %dma_start3A_97 = arith.constant 0 : i32
        %dma_start3A_98 = tpu.memref_slice %arg3[%dma_start3A_96, %dma_start3A_97] : memref<1000000x128xf32, #tpu.memory_space<hbm>> -> memref<1000000x128xf32, #tpu.memory_space<hbm>>
        tpu.enqueue_indirect_dma source(%dma_start3A_98 : memref<1000000x128xf32, #tpu.memory_space<hbm>>) target(%arg6 : memref<128x128xf32, #tpu.memory_space<vmem>>) offsets(%dma_start3A_95 : memref<128xi32, #tpu.memory_space<vmem>>) semaphore(%arg10 : memref<!tpu.dma_semaphore, #tpu.memory_space<semaphore_mem>>)
      } else {
      }
      %dma_wait3A_65 = arith.constant 0 : i32
      %dma_wait3A_66 = arith.constant 0 : i32
      %dma_wait3A_67 = tpu.memref_slice %arg5[%dma_wait3A_65, %dma_wait3A_66] : memref<200x128xi32, #tpu.memory_space<vmem>> -> memref<1x128xi32, #tpu.memory_space<vmem>>
      %dma_wait3A_68 = tpu.memref_squeeze %dma_wait3A_67 : memref<1x128xi32, #tpu.memory_space<vmem>> -> memref<128xi32, #tpu.memory_space<vmem>>
      %dma_wait3A_69 = arith.constant 0 : i32
      %dma_wait3A_70 = arith.constant 0 : i32
      %dma_wait3A_71 = tpu.memref_slice %arg3[%dma_wait3A_69, %dma_wait3A_70] : memref<1000000x128xf32, #tpu.memory_space<hbm>> -> memref<1000000x128xf32, #tpu.memory_space<hbm>>
      tpu.wait_indirect_dma semaphore(%arg11 : memref<!tpu.dma_semaphore, #tpu.memory_space<semaphore_mem>>) src(%dma_wait3A_71 : memref<1000000x128xf32, #tpu.memory_space<hbm>>) dst(%arg7 : memref<128x128xf32, #tpu.memory_space<vmem>>)
      %gt3A_72 = arith.constant 0 : i32
      %gt3A_73 = arith.cmpi sgt, %scan3A_27, %gt3A_72 : i32
      %convert_element_type3A_74 = arith.extui %gt3A_73 : i1 to i32
      %cond3A_75 = arith.constant 0 : i32
      %cond3A_76 = arith.cmpi ne, %convert_element_type3A_74, %cond3A_75 : i32
      scf.if %cond3A_76 {
        %dma_wait3A_91 = arith.constant 0 : i32
        %dma_wait3A_92 = tpu.memref_slice %arg4[%mul3A_29, %dma_wait3A_91, %mul3A_2] : memref<200x64x4096xf32, #tpu.memory_space<hbm>> -> memref<1x64x128xf32, #tpu.memory_space<hbm>>
        %dma_wait3A_93 = tpu.memref_squeeze %dma_wait3A_92 : memref<1x64x128xf32, #tpu.memory_space<hbm>> -> memref<64x128xf32, #tpu.memory_space<hbm>>
        %dma_wait3A_94 = arith.constant 0 : i32
        %dma_wait3A_95 = tpu.memref_slice %arg4[%mul3A_29, %dma_wait3A_94, %mul3A_2] : memref<200x64x4096xf32, #tpu.memory_space<hbm>> -> memref<1x64x128xf32, #tpu.memory_space<hbm>>
        %dma_wait3A_96 = tpu.memref_squeeze %dma_wait3A_95 : memref<1x64x128xf32, #tpu.memory_space<hbm>> -> memref<64x128xf32, #tpu.memory_space<hbm>>
        tpu.wait_dma2 semaphore(%arg13 : memref<!tpu.dma_semaphore, #tpu.memory_space<semaphore_mem>>) src(%arg9 : memref<64x128xf32, #tpu.memory_space<vmem>>) dst(%dma_wait3A_96 : memref<64x128xf32, #tpu.memory_space<hbm>>)
      } else {
      }
      %scan3A_77 = arith.constant 0 : i32
      %scan3A_78 = arith.constant 0 : i32
      %scan3A_79 = arith.constant 8 : i32
      %scan3A_80 = arith.addi %scan3A_78, %scan3A_79 : i32
      %scan3A_81 = arith.constant 1 : i32
      scf.for %scan3A_91 = %scan3A_78 to %scan3A_80 step %scan3A_81  : i32 {
        %mul3A_92 = arith.constant 16 : i32
        %mul3A_93 = arith.muli %scan3A_91, %mul3A_92 : i32
        %add3A_94 = vector.broadcast %mul3A_93 : i32 to vector<16xi32>
        %add3A_95 = arith.addi %add3A_94, %iota3A : vector<16xi32>
        %parallel_loop3A = arith.constant 0 : i32
        %parallel_loop3A_96 = arith.constant 64 : i32
        %parallel_loop3A_97 = arith.constant 1 : i32
        scf.for %parallel_loop3A_98 = %parallel_loop3A to %parallel_loop3A_96 step %parallel_loop3A_97  : i32 {
          %parallel_loop3A_99 = vector.broadcast %parallel_loop3A_98 : i32 to vector<16xi32>
          %parallel_loop3A_100 = arith.addi %parallel_loop3A_99, %add3A_95 : vector<16xi32>
          %parallel_loop3A_101 = arith.constant 63 : i32
          %parallel_loop3A_102 = vector.broadcast %parallel_loop3A_101 : i32 to vector<16xi32>
          %parallel_loop3A_103 = arith.andi %parallel_loop3A_100, %parallel_loop3A_102 : vector<16xi32>
          %parallel_loop3A_104 = tpu.vector_load_idx %arg7[%add3A_95, %parallel_loop3A_103] : memref<128x128xf32, #tpu.memory_space<vmem>>[vector<16xi32>, vector<16xi32>], vector<16xf32>,
          tpu.vector_store_idx %arg9[%parallel_loop3A_103, %add3A_95], %parallel_loop3A_104 : memref<64x128xf32, #tpu.memory_space<vmem>>[vector<16xi32>, vector<16xi32>], vector<16xf32>,
        } {sc.loop_unroll_factor = 16 : i64, sc.parallel_access}
      }
      %scan3A_82 = arith.constant 8 : i32
      %add3A_83 = arith.constant 1 : i32
      %add3A_84 = arith.addi %mul3A_29, %add3A_83 : i32
      %dma_start3A_85 = arith.constant 0 : i32
      %dma_start3A_86 = tpu.memref_slice %arg4[%add3A_84, %dma_start3A_85, %mul3A_2] : memref<200x64x4096xf32, #tpu.memory_space<hbm>> -> memref<1x64x128xf32, #tpu.memory_space<hbm>>
      %dma_start3A_87 = tpu.memref_squeeze %dma_start3A_86 : memref<1x64x128xf32, #tpu.memory_space<hbm>> -> memref<64x128xf32, #tpu.memory_space<hbm>>
      %dma_start3A_88 = arith.constant 0 : i32
      %dma_start3A_89 = tpu.memref_slice %arg4[%add3A_84, %dma_start3A_88, %mul3A_2] : memref<200x64x4096xf32, #tpu.memory_space<hbm>> -> memref<1x64x128xf32, #tpu.memory_space<hbm>>
      %dma_start3A_90 = tpu.memref_squeeze %dma_start3A_89 : memref<1x64x128xf32, #tpu.memory_space<hbm>> -> memref<64x128xf32, #tpu.memory_space<hbm>>
      tpu.enqueue_dma source(%arg9 : memref<64x128xf32, #tpu.memory_space<vmem>>) target(%dma_start3A_90 : memref<64x128xf32, #tpu.memory_space<hbm>>) target_semaphore(%arg13 : memref<!tpu.dma_semaphore, #tpu.memory_space<semaphore_mem>>)
    }
    %scan3A_13 = arith.constant 100 : i32
    %dma_wait3A = arith.constant 0 : i32
    %dma_wait3A_14 = arith.constant 0 : i32
    %dma_wait3A_15 = tpu.memref_slice %arg4[%dma_wait3A, %dma_wait3A_14, %mul3A_2] : memref<200x64x4096xf32, #tpu.memory_space<hbm>> -> memref<1x64x128xf32, #tpu.memory_space<hbm>>
    %dma_wait3A_16 = tpu.memref_squeeze %dma_wait3A_15 : memref<1x64x128xf32, #tpu.memory_space<hbm>> -> memref<64x128xf32, #tpu.memory_space<hbm>>
    %dma_wait3A_17 = arith.constant 0 : i32
    %dma_wait3A_18 = tpu.memref_slice %arg4[%dma_wait3A, %dma_wait3A_17, %mul3A_2] : memref<200x64x4096xf32, #tpu.memory_space<hbm>> -> memref<1x64x128xf32, #tpu.memory_space<hbm>>
    %dma_wait3A_19 = tpu.memref_squeeze %dma_wait3A_18 : memref<1x64x128xf32, #tpu.memory_space<hbm>> -> memref<64x128xf32, #tpu.memory_space<hbm>>
    tpu.wait_dma2 semaphore(%arg12 : memref<!tpu.dma_semaphore, #tpu.memory_space<semaphore_mem>>) src(%arg8 : memref<64x128xf32, #tpu.memory_space<vmem>>) dst(%dma_wait3A_19 : memref<64x128xf32, #tpu.memory_space<hbm>>)
    %dma_wait3A_20 = arith.constant 0 : i32
    %dma_wait3A_21 = arith.constant 0 : i32
    %dma_wait3A_22 = tpu.memref_slice %arg4[%dma_wait3A_20, %dma_wait3A_21, %mul3A_2] : memref<200x64x4096xf32, #tpu.memory_space<hbm>> -> memref<1x64x128xf32, #tpu.memory_space<hbm>>
    %dma_wait3A_23 = tpu.memref_squeeze %dma_wait3A_22 : memref<1x64x128xf32, #tpu.memory_space<hbm>> -> memref<64x128xf32, #tpu.memory_space<hbm>>
    %dma_wait3A_24 = arith.constant 0 : i32
    %dma_wait3A_25 = tpu.memref_slice %arg4[%dma_wait3A_20, %dma_wait3A_24, %mul3A_2] : memref<200x64x4096xf32, #tpu.memory_space<hbm>> -> memref<1x64x128xf32, #tpu.memory_space<hbm>>
    %dma_wait3A_26 = tpu.memref_squeeze %dma_wait3A_25 : memref<1x64x128xf32, #tpu.memory_space<hbm>> -> memref<64x128xf32, #tpu.memory_space<hbm>>
    tpu.wait_dma2 semaphore(%arg13 : memref<!tpu.dma_semaphore, #tpu.memory_space<semaphore_mem>>) src(%arg9 : memref<64x128xf32, #tpu.memory_space<vmem>>) dst(%dma_wait3A_26 : memref<64x128xf32, #tpu.memory_space<hbm>>)
    return
  }
}

module attributes {stable_mosaic.version = 14 : i64} {
  func.func @_repack_body(%arg0: i32, %arg1: memref<64x8192xf32, #tpu.memory_space<vmem>>, %arg2: memref<8192x128xf32, #tpu.memory_space<vmem>>) attributes {dimension_semantics = [#tpu.dimension_semantics<arbitrary>], iteration_bounds = array<i64: 123>, scalar_prefetch = 0 : i64, scratch_operands = 0 : i64, tpu.core_type = #tpu.core_type<tc>, window_params = [{transform_indices = @transform_0, window_bounds = array<i64: 64, 8192>}, {transform_indices = @transform_1, window_bounds = array<i64: 8192, 128>}]} {
    %iota3A = tpu.iota {dimensions = array<i32: 0>} : vector<64x64xi32>
    %iota3A_0 = tpu.iota {dimensions = array<i32: 1>} : vector<64x64xi32>
    %eq3A = arith.cmpi eq, %iota3A, %iota3A_0 : vector<64x64xi32>
    %convert_element_type3A = arith.extui %eq3A : vector<64x64xi1> to vector<64x64xi32>
    %convert_element_type3A_1 = arith.sitofp %convert_element_type3A : vector<64x64xi32> to vector<64x64xf32>
    %get3A = arith.constant 0 : index
    %get3A_2 = arith.constant 0 : index
    %get3A_3 = vector.load %arg1[%get3A, %get3A_2] : memref<64x8192xf32, #tpu.memory_space<vmem>>, vector<64x8192xf32>
    %dot_general3A = arith.constant dense<0.000000e+00> : vector<8192x64xf32>
    %dot_general3A_4 = tpu.matmul %get3A_3, %convert_element_type3A_1, %dot_general3A {dimension_numbers = #tpu.dot_dimension_numbers<[0], [0], [1], [1], [0, 1, 1, 1], [], []>, precision = #tpu.contract_precision<fp32>, transpose_lhs_hint = false} : vector<64x8192xf32>, vector<64x64xf32>, vector<8192x64xf32> -> vector<8192x64xf32>
    %concatenate3A = tpu.concatenate %dot_general3A_4, %dot_general3A_4 in 1 : vector<8192x64xf32>, vector<8192x64xf32> -> vector<8192x128xf32>
    %swap3A = arith.constant 0 : index
    %swap3A_5 = arith.constant 0 : index
    %swap3A_6 = vector.load %arg2[%swap3A, %swap3A_5] : memref<8192x128xf32, #tpu.memory_space<vmem>>, vector<8192x128xf32>
    tpu.vector_store %arg2[%swap3A, %swap3A_5], %concatenate3A {strides = array<i32>} : memref<8192x128xf32, #tpu.memory_space<vmem>>, vector<8192x128xf32>,
    return
  }
  func.func @transform_0(%arg0: i32) -> (i32, i32) {
    %c0_i32 = arith.constant 0 : i32
    %c0_i32_0 = arith.constant 0 : i32
    return %c0_i32, %arg0 : i32, i32
  }
  func.func @transform_1(%arg0: i32) -> (i32, i32) {
    %c0_i32 = arith.constant 0 : i32
    %c0_i32_0 = arith.constant 0 : i32
    return %arg0, %c0_i32 : i32, i32
  }
}

</mosaic_0001>

<sc_bundles>
// kernel: _embedding_lookup.4.cloned.1.call-start
scs
__scs_entry_jumppad:
0x0: {  	(pc) =	sbr.rel $0x88, $3  }
0x1: {  	(tag) =	ssettag $0x0;
	lr =	simm.s32 $0x1  }
0x2: {  	[smem:$0x3F9F] =	sst lr;
	_ =	strace $0xD0000000  }
0x3: {  	_ = 	snop  }
0x4: {  	_ = 	snop  }
0x5: {  	_ = 	snop  }
0x6: {  	_ = 	snop  }
0x7: {  	_ = 	snop  }
__scs_overlays_trampoline_lowered:
0x8: {  	[smem:$0x3FAE] =	sst s0  }
0x9: {  	[smem:$0x3FAF] =	sst s1  }
0xa: {  	[smem:$0x3FB0] =	sst s2  }
0xb: {  	[smem:$0x3FB1] =	sst s3  }
0xc: {  	[smem:$0x3FB2] =	sst s4  }
0xd: {  	[smem:$0x3FB3] =	sst s5  }
0xe: {  	[smem:$0x3FB4] =	sst s6  }
0xf: {  	[smem:$0x3FB5] =	sst s7  }
0x10: {  	[smem:$0x3FB6] =	sst s8  }
0x11: {  	[smem:$0x3FB7] =	sst s9;
	s0 =	simm.s32 @!p0 $0x0  }
0x12: {  	s1 =	sld [smem:$0x3F9D];
	s0 =	simm.s32 @p0 $0x1  }
0x13: {  	[smem:$0x3FB8] =	sst s0;
	s0 =	simm.s32 @!p1 $0x0  }
0x14: {  	s2 =	sld [smem:$0x3F9C];
	s0 =	simm.s32 @p1 $0x1  }
0x15: {  	[smem:$0x3FB9] =	sst s0;
	s0 =	simm.s32 @!p2 $0x0  }
0x16: {  	s3 =	sld [smem:$0x3FDB];
	s0 =	simm.s32 @p2 $0x1  }
0x17: {  	s4 =	simm.s32 $0x1BF5;
	[smem:$0x3FBB] =	sst s0  }
0x18: {  	s0 =	sld [smem:$0x3F9E];
	_ =	swait.ge [sflag:s4], $0x0  }
0x19: {  	s7 =	sld [smem:$0x3F9F]  }
0x1a: {  	s8 =	sadd.s32 $0xFFFFE003, lr  }
0x1b: {  	s9 =	sadd.s32 $0xFFFFFEF7, lr;
	s5 =	simm.s32 $0xFFFFFFFF;
	p2 =	slt.u32 s8, $0xFFFFF086  }
0x1c: {  	p1 =	slt.u32 s9, $0xF7A;
	s5 =	simm.s32 @!p2 $0x0  }
0x1d: {  	s5 =	simm.s32 @p1 $0x1;
	p0 =	seq.s32 s7, s2  }
0x1e: {  	s7 =	smul.u32 @!p0 $0xF7A, s2;
	p2 =	seq.s32 @!p0 s5, $0x0  }
0x1f: {  	s9 =	smul.u32 $0xF7A, s1;
	s8 =	simm.s32 @!p0 $0x1BF5;
	p2 =	por !p2, p0  }
0x20: {  	[sflag:s8] =	ssyncset.s32 @!p0 $0xFFFFF086;
	s6 =	sadd.s32 @!p0 s3, s7;
	s7 =	simm.s32 @!p0 $0x108  }
0x21: {  	s3 =	sadd.s32 s3, s9;
	s6 =	sadd.s32 @!p0 $0x88, s6;
	s7 =	simm.s32 @p2 $0x1082  }
0x22: {  	[simem:s7], [sflag:s8] =	dma.local @!p0 [hbm:s6], $0xF7A  }
0x23: {  	s9 =	sor.u32 $0xD0000000, s2;
	s6 =	simm.s32 $0x108;
	_ =	swait.ge @!p0 [sflag:s8], $0x0  }
0x24: {  	s3 =	sadd.s32 $0x88, s3;
	s6 =	simm.s32 @!p1 $0x1082;
	[sflag:s4] =	ssyncset.s32 $0xFFFFF086  }
0x25: {  	[simem:s6], [sflag:s4] =	dma.local [hbm:s3], $0xF7A  }
0x26: {  	[smem:$0x3F9F] =	sst s1;
	(tag) =	ssettag s2;
	_ =	strace s9  }
0x27: {  	s1 =	sld [smem:$0x3FAF]  }
0x28: {  	s2 =	sld [smem:$0x3FB0]  }
0x29: {  	s4 =	sld [smem:$0x3FB2]  }
0x2a: {  	p0 =	seq.s32 s5, $0x0;
	s5 =	sld [smem:$0x3FB3]  }
0x2b: {  	s6 =	sld [smem:$0x3FB4]  }
0x2c: {  	s7 =	sld [smem:$0x3FB5]  }
0x2d: {  	s3 =	simm.s32 $0x108;
	s8 =	sld [smem:$0x3FB6]  }
0x2e: {  	s3 =	simm.s32 @!p0 $0x1082;
	s9 =	sld [smem:$0x3FB7]  }
0x2f: {  	lr =	sadd.s32 s0, s3;
	s0 =	sld [smem:$0x3FAE]  }
0x30: {  	s3 =	sld [smem:$0x3FB1]  }
0x31: {  	[smem:$0x3FBA] =	sst s10  }
0x32: {  	s10 =	sld [smem:$0x3FB8];
	_ =	sdelay $0x3  }
0x33: {  	p0 =	seq.s32 s10, $0x1;
	s10 =	sld [smem:$0x3FBA];
	_ =	sdelay $0x3  }
0x34: {  	[smem:$0x3FBA] =	sst s10  }
0x35: {  	s10 =	sld [smem:$0x3FB9];
	_ =	sdelay $0x3  }
0x36: {  	p1 =	seq.s32 s10, $0x1;
	s10 =	sld [smem:$0x3FBA];
	_ =	sdelay $0x3  }
0x37: {  	[smem:$0x3FBA] =	sst s10  }
0x38: {  	s10 =	sld [smem:$0x3FBB]  }
0x39: {  	_ = 	snop;
	(pc) =	sbr.ind lr, $3  }
0x3a: {  	_ = 	snop  }
0x3b: {  	_ = 	snop  }
0x3c: {  	p2 =	seq.s32 s10, $0x1;
	s10 =	sld [smem:$0x3FBA]  }
0x3d: {  	_ =	shalt  }
0x3e: {  	_ =	shalt  }
0x3f: {  	_ =	shalt  }
0x40: {  	_ =	shalt  }
0x41: {  	_ =	shalt  }
0x42: {  	_ =	shalt  }
0x43: {  	_ =	shalt  }
0x44: {  	_ =	shalt  }
0x45: {  	_ =	shalt  }
0x46: {  	_ =	shalt  }
0x47: {  	_ =	shalt  }
0x48: {  	_ =	shalt  }
0x49: {  	_ =	shalt  }
0x4a: {  	_ =	shalt  }
0x4b: {  	_ =	shalt  }
0x4c: {  	_ =	shalt  }
0x4d: {  	_ =	shalt  }
0x4e: {  	_ =	shalt  }
0x4f: {  	_ =	shalt  }
0x50: {  	_ =	shalt  }
0x51: {  	_ =	shalt  }
0x52: {  	_ =	shalt  }
0x53: {  	_ =	shalt  }
0x54: {  	_ =	shalt  }
0x55: {  	_ =	shalt  }
0x56: {  	_ =	shalt  }
0x57: {  	_ =	shalt  }
0x58: {  	_ =	shalt  }
0x59: {  	_ =	shalt  }
0x5a: {  	_ =	shalt  }
0x5b: {  	_ =	shalt  }
0x5c: {  	_ =	shalt  }
0x5d: {  	_ =	shalt  }
0x5e: {  	_ =	shalt  }
0x5f: {  	_ =	shalt  }
0x60: {  	_ =	shalt  }
0x61: {  	_ =	shalt  }
0x62: {  	_ =	shalt  }
0x63: {  	_ =	shalt  }
0x64: {  	_ =	shalt  }
0x65: {  	_ =	shalt  }
0x66: {  	_ =	shalt  }
0x67: {  	_ =	shalt  }
0x68: {  	_ =	shalt  }
0x69: {  	_ =	shalt  }
0x6a: {  	_ =	shalt  }
0x6b: {  	_ =	shalt  }
0x6c: {  	_ =	shalt  }
0x6d: {  	_ =	shalt  }
0x6e: {  	_ =	shalt  }
0x6f: {  	_ =	shalt  }
0x70: {  	_ =	shalt  }
0x71: {  	_ =	shalt  }
0x72: {  	_ =	shalt  }
0x73: {  	_ =	shalt  }
0x74: {  	_ =	shalt  }
0x75: {  	_ =	shalt  }
0x76: {  	_ =	shalt  }
0x77: {  	_ =	shalt  }
0x78: {  	_ =	shalt  }
0x79: {  	_ =	shalt  }
0x7a: {  	_ =	shalt  }
0x7b: {  	_ =	shalt  }
0x7c: {  	_ =	shalt  }
0x7d: {  	_ =	shalt  }
0x7e: {  	_ =	shalt  }
0x7f: {  	_ =	shalt  }
0x80: {  	_ =	shalt  }
0x81: {  	_ =	shalt  }
0x82: {  	_ =	shalt  }
0x83: {  	_ =	shalt  }
0x84: {  	_ =	shalt  }
0x85: {  	_ =	shalt  }
0x86: {  	_ =	shalt  }
0x87: {  	_ =	shalt  }
.Lfunc_end0:
.L_simem_size_0:
called_computation_lowered:
.L_overlay_start_0:
0x88: {  	s2 =	sld [smem:$0x3FD9]  }
0x89: {  	s3 =	sld [smem:$0x3FFE];
	_ =	sdelay $0x1  }
0x8a: {  	s1 =	srdreg.scid  }
0x8b: {  	s0 =	sand.u32 $0x1, s1  }
0x8c: {  	s17 =	sshll.u32 s0, $0xA;
	s2 =	sadd.s32 s3, s2  }
0x8d: {  	s2 =	sadd.s32 s2, s17  }
0x8e: {  	[smem:$0x3FC6] =	sst s2  }
0x8f: {  	_ = 	snop  }
0x90: {  	s2 =	sld [smem:$0x3FC9]  }
0x91: {  	s18 =	sld [smem:$0x3FD0];
	(tm) =	ssettm $0x1  }
0x92: {  	s4 =	sld [smem:$0x3FFB];
	_ =	sdelay $0x3  }
0x93: {  	_ =	strace s4  }
0x94: {  	s4 =	sld [smem:$0x3FFC];
	_ =	sdelay $0x3  }
0x95: {  	_ =	strace s4  }
0x96: {  	s4 =	sld [smem:$0x3FFD];
	_ =	sdelay $0x3  }
0x97: {  	_ =	strace s4  }
0x98: {  	_ =	strace $0x8FFFFFFF  }
0x99: {  	s19 =	sld [smem:$0x3FDB];
	_ =	sdelay $0x1  }
0x9a: {  	s5 =	simm.s32 $_scs_section_size  }
0x9b: {  	s6 =	simm.s32 $_size__tile_overlayer_lowered;
	s7 =	simm.s32 $_tile_overlayer_lowered  }
0x9c: {  	s22 =	simm.s32 $0x1BFF;
	s21 =	sshll.u32 s7, $0x1;
	s4 =	sadd.s32 s5, s19  }
0x9d: {  	s8 =	simm.s32 $0x0;
	s20 =	sshll.u32 s6, $0x1;
	s6 =	sadd.s32 s21, s4  }
0x9e: {  	[timem:s8], [sflag:s22] =	dma.local [hbm:s6], s20  }
0x9f: {  	_ =	swait.ge [sflag:s22], s20  }
0xa0: {  	s5 =	ssub.s32 $0x0, s20;
	[sflag:s22] =	ssyncset.done $0x0  }
0xa1: {  	[sflag:s22] =	ssyncadd.s32 s5;
	_ =	sdelay $0x1  }
0xa2: {  	s23 =	simm.s32 $0x1B8B  }
0xa3: {  	_ =	swait.ge [sflag:s23], $0x1  }
0xa4: {  	[sflag:s23] =	ssyncset.done $0x0  }
0xa5: {  	s25 =	simm.s32 $0x1B8E;
	s24 =	sld [smem:$0x3FFE];
	[sflag:s23] =	ssyncadd.s32 $0xFFFFFFFF  }
0xa6: {  	s26 =	simm.s32 $execute0_lowered;
	[smem:$0x3FD2] =	sst s25  }
0xa7: {  	s6 =	sshll.u32 s26, $0x1;
	_ =	strace $0x80000046;
	[dreg:$0x1] =	wrdreg $0xFFFFFFFF  }
0xa8: {  	s28 =	simm.s32 $_size_execute0_lowered;
	s4 =	sadd.s32 s4, s6;
	[dreg:$0x0] =	wrdreg $0x0  }
0xa9: {  	s6 =	sshll.u32 s28, $0x1;
	[dreg:$0x2] =	wrdreg s4  }
0xaa: {  	[dreg:$0x3] =	wrdreg s6  }
0xab: {  	[dreg:$0x4] =	wrdreg $0xC0  }
0xac: {  	_ =	task [dreg:s8], $0x5FFFF  }
0xad: {  	[dreg:$0x1] =	wrdreg $0xFFFFFFFF  }
0xae: {  	[dreg:$0x0] =	wrdreg $0x60  }
0xaf: {  	[dreg:$0x2] =	wrdreg s2  }
0xb0: {  	[dreg:$0x3] =	wrdreg s24  }
0xb1: {  	[dreg:$0x4] =	wrdreg s18  }
0xb2: {  	[dreg:$0x5] =	wrdreg $0x9  }
0xb3: {  	_ =	task.clear_ibuf [dreg:s8], $0x6FFFF;
	_ =	strace $0x90000046  }
0xb4: {  	s29 =	simm.s32 $0x9;
	_ =	strace $0x80000048  }
0xb5: {  	_ =	swait.ge [sflag:s29], $0x1  }
0xb6: {  	[sflag:s29] =	ssyncadd.s32 $0xFFFFFFFF  }
0xb7: {  	_ =	strace $0x90000048  }
0xb8: {  	_ =	sfence  }
0xb9: {  	s30 =	sld [smem:$0x0];
	_ =	sdelay $0x2  }
0xba: {  	s31 =	sshll.u32 s1, $0xD;
	s1 =	sshrl.u32 s1, $0x2  }
0xbb: {  	s3 =	sand.u32 $0x4000, s31;
	s1 =	sadd.s32 s1, s30  }
0xbc: {  	s0 =	sor.u32 s3, s0;
	s1 =	sshll.u32 s1, $0x11  }
0xbd: {  	s0 =	sor.u32 s1, s0  }
0xbe: {  	s0 =	sadd.s32 $0x8F2B, s0  }
0xbf: {  	[sflag:s0] =	ssyncadd.remote.s32 $0x1  }
0xc0: {  	_ =	sfence.sel $0xFFFF  }
0xc1: {  	[dreg:$0x0] =	wrdreg $0xFFFFFFFF;
	(pc) =	sbr.abs _section_cstart, $3  }
0xc2: {  	[dreg:$0x1] =	wrdreg $0xFFFFFFFF  }
0xc3: {  	_ =	task.clear_ibuf [dreg:s8], $0x2FFFF;
	_ =	strace $0x9FFFFFFF  }
0xc4: {  	(tm) =	ssettm $0x7FFFFFFF  }
0xc5: {  	_ =	shalt  }
tec
execute0_lowered:
.L_overlay_start_1:
0x0: {  	(tag) =	ssettag $0x1  }
0x1: {  	s6 =	rddreg [dreg:$0x0]  }
0x2: {  	s5 =	rddreg [dreg:$0x1]  }
0x3: {  	s1 =	rddreg [dreg:$0x2]  }
0x4: {  	s0 =	rddreg [dreg:$0x3];
	s3 =	simm.s32 $0x0;
	s4 =	srdreg.scid  }
0x5: {  	s2 =	stileid.u32;
	s10 =	simm.s32 $0x5;
	s11 =	simm.s32 $0x80  }
0x6: {  	s12 =	simm.s32 $0x6400;
	s13 =	simm.s32 $0x1;
	s14 =	simm.s32 $0xA400  }
0x7: {  	s15 =	simm.s32 $0xE400;
	s16 =	simm.s32 $0x2;
	s17 =	simm.s32 $0x4  }
0x8: {  	s18 =	simm.s32 $0x10400;
	s19 =	simm.s32 $0x3;
	s20 =	simm.s32 $0x0  }
0x9: {  	[smem:$0x7FF] =	sst s3;
	s4 =	sand.u32 $0x1, s4;
	s8 =	sshll.u32 s2, $0xB  }
0xa: {  	s5 =	sadd.s32 $0x400, s5;
	s7 =	ssub.s32 $0x2, s4;
	s4 =	sshll.u32 s4, $0xA  }
0xb: {  	_ =	strace $0x80000047;
	s9 =	sshrl.u32 s7, $0x1;
	s4 =	sor.u32 s4, s8  }
0xc: {  	s7 =	ssub.s32 s7, s9;
	s8 =	sshrl.u32 s4, $0x3;
	s9 =	simm.s32 $0x8000  }
0xd: {  	v0 =	vlaneseq.u32;
	s6 =	sadd.s32 s6, s8;
	s7 =	smax.u32 s7, $0x1;
	s8 =	simm.s32 $0x400  }
.LBB2_1:
0xe: {  	[tilespmem:s3], [sflag:$0x5] =	stream.strided.gather [hbm4b:s6+s8], $0x6400, s9, s8, $0x38;
	[tilespmem:$0x12400] =	vst v63  }
0xf: {  	_ =	swait.ge [sflag:s10], $0x6400  }
0x10: {  	[sflag:s10] =	ssyncset.done $0x0  }
0x11: {  	s21 =	simm.s32 $0x0;
	[sflag:s10] =	ssyncadd.s32 $0xFFFF9C00  }
0x12: {  	[tilespmem:s12], [sflag:$0x1] =	stream.indirect.gather [hbm4b:s5+s11], $0x80, s3, s11, $0xb8;
	[tilespmem:$0x12400] =	vst v63  }
.LBB2_2:
0x13: {  	_ =	swait.ge [sflag:s13], $0x4000;
	s22 =	sshllo.u32 s21, $0x1  }
0x14: {  	[sflag:s13] =	ssyncset.done $0x0;
	s23 =	sshll.u32 s22, $0x7  }
0x15: {  	p0 =	seq.s32 s21, $0x0;
	[sflag:s13] =	ssyncadd.s32 $0xFFFFC000;
	s23 =	sand.u32 $0x3FFFFF80, s23  }
0x16: {  	[tilespmem:s14], [sflag:$0x2] =	stream.indirect.gather [hbm4b:s5+s11], $0x80, s23, s11, $0xb8;
	[tilespmem:$0x12400] =	vst v63  }
0x17: {  	s23 =	simm.s32 @!p0 $0x3  }
0x18: {  	_ =	swait.ge @!p0 [sflag:s23], $0x2000  }
0x19: {  	[sflag:s23] =	ssyncset.done @!p0 $0x0  }
0x1a: {  	s24 =	simm.s32 $0x0;
	[sflag:s23] =	ssyncadd.s32 @!p0 $0xFFFFE000;
	s23 =	simm.s32 $0x0  }
.LBB2_3:
0x1b: {  	s25 =	sshll.u32 s24, $0x4  }
0x1c: {  	v1 =	vor.u32 s25, v0  }
0x1d: {  	s29 =	simm.s32 $0xF;
	v3 =	vadd.s32 s23, v1  }
0x1e: {  	s28 =	simm.s32 $0xB;
	v2 =	vshll.u32 v1, $0x7;
	v4 =	vadd.s32 s29, v1;
	v3 =	vand.u32 $0x3F, v3  }
0x1f: {  	s30 =	simm.s32 $0xE;
	v9 =	vadd.s32 s28, v1;
	v5 =	vshll.u32 v3, $0x7;
	v6 =	vor.u32 v2, v3  }
0x20: {  	v3 =	vand.u32 $0x3F, v4;
	v4 =	vadd.s32 s30, v1;
	v14 =	vadd.s32 v1, v5  }
0x21: {  	s31 =	simm.s32 $0xD;
	v5 =	vshll.u32 v3, $0x7;
	v4 =	vand.u32 $0x3F, v4;
	v7 =	vor.u32 v2, v3  }
0x22: {  	s26 =	simm.s32 $0xC;
	v3 =	vadd.s32 s31, v1;
	v18 =	vadd.s32 v1, v5;
	v8 =	vor.u32 v2, v4  }
0x23: {  	s31 =	simm.s32 $0x8;
	v4 =	vshll.u32 v4, $0x7;
	v5 =	vadd.s32 s26, v1;
	v3 =	vand.u32 $0x3F, v3  }
0x24: {  	v13 =	vadd.s32 s31, v1;
	v25 =	vadd.s32 v1, v4;
	v4 =	vand.u32 $0x3F, v5  }
0x25: {  	v10 =	vor.u32 v2, v3;
	v3 =	vshll.u32 v3, $0x7;
	v13 =	vand.u32 $0x3F, v13  }
0x26: {  	s29 =	simm.s32 $0xA;
	v11 =	vshll.u32 v4, $0x7;
	v5 =	vadd.s32 v1, v3;
	v3 =	vand.u32 $0x3F, v9  }
0x27: {  	s30 =	simm.s32 $0x9;
	v12 =	vor.u32 v2, v4;
	v9 =	vadd.s32 s29, v1;
	v4 =	vadd.s32 v1, v11  }
0x28: {  	s29 =	simm.s32 $0x5;
	v15 =	vor.u32 v2, v3;
	v3 =	vshll.u32 v3, $0x7;
	v11 =	vadd.s32 s30, v1  }
0x29: {  	v9 =	vand.u32 $0x3F, v9;
	v21 =	vadd.s32 s29, v1;
	v3 =	vadd.s32 v1, v3  }
0x2a: {  	v16 =	vld.idx.msk [tilespmem:v6+s12+$0x0], $0xffff;
	v11 =	vand.u32 $0x3F, v11;
	v17 =	vor.u32 v2, v9;
	v9 =	vshll.u32 v9, $0x7  }
0x2b: {  	s26 =	simm.s32 $0x7;
	v23 =	vld.idx.msk [tilespmem:v7+s12+$0x0], $0xffff;
	v19 =	vshll.u32 v11, $0x7;
	v6 =	vadd.s32 v1, v9;
	v26 =	vor.u32 v2, v11  }
0x2c: {  	s28 =	simm.s32 $0x6;
	v27 =	vld.idx.msk [tilespmem:v8+s12+$0x0], $0xffff;
	v8 =	vadd.s32 s26, v1;
	v9 =	vor.u32 v2, v13;
	v13 =	vshll.u32 v13, $0x7  }
0x2d: {  	v7 =	vadd.s32 v1, v19;
	v11 =	vld.idx.msk [tilespmem:v10+s12+$0x0], $0xffff;
	v19 =	vadd.s32 s28, v1;
	v10 =	vand.u32 $0x3F, v8  }
0x2e: {  	s30 =	simm.s32 $0x4;
	v8 =	vadd.s32 v1, v13;
	v12 =	vld.idx.msk [tilespmem:v12+s12+$0x0], $0xffff;
	v13 =	vand.u32 $0x3F, v19;
	v20 =	vor.u32 v2, v10  }
0x2f: {  	s31 =	simm.s32 $0x3;
	[tilespmem:v14+s15+$0x0] =	vst.idx.msk $0xffff, v16;
	v16 =	vadd.s32 s30, v1;
	v14 =	vand.u32 $0x3F, v21;
	v21 =	vor.u32 v2, v13;
	v15 =	vld.idx.msk [tilespmem:v15+s12+$0x0], $0xffff  }
0x30: {  	s28 =	simm.s32 $0x2;
	v19 =	vadd.s32 s31, v1;
	v16 =	vand.u32 $0x3F, v16;
	v22 =	vor.u32 v2, v14;
	v17 =	vld.idx.msk [tilespmem:v17+s12+$0x0], $0xffff;
	[tilespmem:v18+s15+$0x0] =	vst.idx.msk $0xffff, v23  }
0x31: {  	s25 =	simm.s32 $0x10;
	s26 =	simm.s32 $0x1;
	v24 =	vadd.s32 s28, v1;
	v18 =	vand.u32 $0x3F, v19;
	v23 =	vor.u32 v2, v16;
	v19 =	vld.idx.msk [tilespmem:v26+s12+$0x0], $0xffff;
	[tilespmem:v25+s15+$0x0] =	vst.idx.msk $0xffff, v27  }
.LBB2_4:
0x32: {  	p1 =	slt.u32 s25, $0x30;
	v25 =	vadd.s32 s26, v1;
	v24 =	vand.u32 $0x3F, v24;
	v26 =	vor.u32 v2, v18;
	v9 =	vld.idx.msk [tilespmem:v9+s12+$0x0], $0xffff;
	[tilespmem:v5+s15+$0x0] =	vst.idx.msk $0xffff, v11  }
0x33: {  	v10 =	vshll.u32 v10, $0x7;
	v5 =	vand.u32 $0x3F, v25;
	v11 =	vor.u32 v2, v24;
	v20 =	vld.idx.msk [tilespmem:v20+s12+$0x0], $0xffff;
	[tilespmem:v4+s15+$0x0] =	vst.idx.msk $0xffff, v12  }
0x34: {  	v13 =	vshll.u32 v13, $0x7;
	v10 =	vadd.s32 v1, v10;
	v4 =	vor.u32 v2, v5;
	v12 =	vld.idx.msk [tilespmem:v21+s12+$0x0], $0xffff  }
0x35: {  	v14 =	vshll.u32 v14, $0x7;
	v13 =	vadd.s32 v1, v13;
	v21 =	vld.idx.msk [tilespmem:v22+s12+$0x0], $0xffff;
	[tilespmem:v3+s15+$0x0] =	vst.idx.msk $0xffff, v15  }
0x36: {  	v16 =	vshll.u32 v16, $0x7;
	v14 =	vadd.s32 v1, v14;
	v3 =	vadd.s32 s25, v1;
	v15 =	vld.idx.msk [tilespmem:v23+s12+$0x0], $0xffff;
	[tilespmem:v6+s15+$0x0] =	vst.idx.msk $0xffff, v17  }
0x37: {  	v16 =	vadd.s32 v1, v16;
	v3 =	vand.u32 $0x3F, v3;
	v17 =	vshll.u32 v18, $0x7;
	v6 =	vld.idx.msk [tilespmem:v26+s12+$0x0], $0xffff;
	[tilespmem:v7+s15+$0x0] =	vst.idx.msk $0xffff, v19  }
0x38: {  	s26 =	sadd.s32 $0xF, s25;
	v18 =	vshll.u32 v24, $0x7;
	v7 =	vshll.u32 v3, $0x7;
	v17 =	vadd.s32 v1, v17;
	v11 =	vld.idx.msk [tilespmem:v11+s12+$0x0], $0xffff;
	[tilespmem:v8+s15+$0x0] =	vst.idx.msk $0xffff, v9  }
0x39: {  	v5 =	vshll.u32 v5, $0x7;
	v8 =	vadd.s32 s26, v1;
	v9 =	vadd.s32 v1, v18;
	v4 =	vld.idx.msk [tilespmem:v4+s12+$0x0], $0xffff;
	[tilespmem:v10+s15+$0x0] =	vst.idx.msk $0xffff, v20  }
0x3a: {  	v5 =	vadd.s32 v1, v5;
	s26 =	sadd.s32 $0xE, s25;
	v10 =	vor.u32 v2, v3;
	v3 =	vand.u32 $0x3F, v8;
	[tilespmem:v13+s15+$0x0] =	vst.idx.msk $0xffff, v12  }
0x3b: {  	v18 =	vadd.s32 v1, v7;
	v7 =	vadd.s32 s26, v1;
	v8 =	vshll.u32 v3, $0x7;
	[tilespmem:v14+s15+$0x0] =	vst.idx.msk $0xffff, v21  }
0x3c: {  	s26 =	sadd.s32 $0xD, s25;
	v7 =	vand.u32 $0x3F, v7;
	v12 =	vor.u32 v2, v3;
	v19 =	vadd.s32 v1, v8;
	[tilespmem:v16+s15+$0x0] =	vst.idx.msk $0xffff, v15  }
0x3d: {  	s28 =	sadd.s32 $0xC, s25;
	v3 =	vadd.s32 s26, v1;
	v8 =	vor.u32 v2, v7;
	v7 =	vshll.u32 v7, $0x7;
	[tilespmem:v17+s15+$0x0] =	vst.idx.msk $0xffff, v6  }
0x3e: {  	v3 =	vand.u32 $0x3F, v3;
	v25 =	vadd.s32 v1, v7;
	v6 =	vadd.s32 s28, v1;
	[tilespmem:v9+s15+$0x0] =	vst.idx.msk $0xffff, v11  }
0x3f: {  	s26 =	sadd.s32 $0xB, s25;
	v6 =	vand.u32 $0x3F, v6;
	v11 =	vor.u32 v2, v3;
	v3 =	vshll.u32 v3, $0x7;
	[tilespmem:v5+s15+$0x0] =	vst.idx.msk $0xffff, v4  }
0x40: {  	v4 =	vadd.s32 s26, v1;
	v7 =	vshll.u32 v6, $0x7;
	v5 =	vadd.s32 v1, v3  }
0x41: {  	s26 =	sadd.s32 $0xA, s25;
	v13 =	vor.u32 v2, v6;
	v3 =	vand.u32 $0x3F, v4;
	v4 =	vadd.s32 v1, v7  }
0x42: {  	s28 =	sadd.s32 $0x9, s25;
	v6 =	vadd.s32 s26, v1;
	v15 =	vor.u32 v2, v3;
	v3 =	vshll.u32 v3, $0x7  }
0x43: {  	v7 =	vadd.s32 s28, v1;
	v6 =	vand.u32 $0x3F, v6;
	v3 =	vadd.s32 v1, v3  }
0x44: {  	s26 =	sadd.s32 $0x8, s25;
	v7 =	vand.u32 $0x3F, v7;
	v17 =	vor.u32 v2, v6;
	v6 =	vshll.u32 v6, $0x7;
	v14 =	vld.idx.msk [tilespmem:v10+s12+$0x0], $0xffff  }
0x45: {  	v9 =	vadd.s32 s26, v1;
	v6 =	vadd.s32 v1, v6;
	v10 =	vshll.u32 v7, $0x7;
	v23 =	vld.idx.msk [tilespmem:v12+s12+$0x0], $0xffff  }
0x46: {  	s26 =	sadd.s32 $0x7, s25;
	v26 =	vor.u32 v2, v7;
	v12 =	vand.u32 $0x3F, v9;
	v7 =	vadd.s32 v1, v10;
	v27 =	vld.idx.msk [tilespmem:v8+s12+$0x0], $0xffff  }
0x47: {  	s28 =	sadd.s32 $0x6, s25;
	v8 =	vadd.s32 s26, v1;
	v9 =	vor.u32 v2, v12;
	v12 =	vshll.u32 v12, $0x7;
	v11 =	vld.idx.msk [tilespmem:v11+s12+$0x0], $0xffff  }
.Ltmp0:
0x48: {  	v16 =	vadd.s32 s28, v1;
	s26 =	sadd.s32 $0x5, s25;
	v10 =	vand.u32 $0x3F, v8;
	v8 =	vadd.s32 v1, v12;
	v12 =	vld.idx.msk [tilespmem:v13+s12+$0x0], $0xffff;
	(pc) =	sbr.rel @p1 .LBB2_4-.Ltmp0, $4  }
0x49: {  	s28 =	sadd.s32 $0x4, s25;
	v21 =	vadd.s32 s26, v1;
	v13 =	vand.u32 $0x3F, v16;
	v20 =	vor.u32 v2, v10  }
0x4a: {  	s26 =	sadd.s32 $0x3, s25;
	v16 =	vadd.s32 s28, v1;
	[tilespmem:v18+s15+$0x0] =	vst.idx.msk $0xffff, v14;
	v14 =	vand.u32 $0x3F, v21;
	v21 =	vor.u32 v2, v13;
	v15 =	vld.idx.msk [tilespmem:v15+s12+$0x0], $0xffff  }
0x4b: {  	s28 =	sadd.s32 $0x2, s25;
	v16 =	vand.u32 $0x3F, v16;
	v18 =	vadd.s32 s26, v1;
	v22 =	vor.u32 v2, v14;
	v17 =	vld.idx.msk [tilespmem:v17+s12+$0x0], $0xffff;
	[tilespmem:v19+s15+$0x0] =	vst.idx.msk $0xffff, v23  }
0x4c: {  	v24 =	vadd.s32 s28, v1;
	s26 =	sadd.s32 $0x1, s25;
	s25 =	sadd.s32 $0x10, s25;
	v18 =	vand.u32 $0x3F, v18;
	v23 =	vor.u32 v2, v16;
	v19 =	vld.idx.msk [tilespmem:v26+s12+$0x0], $0xffff;
	[tilespmem:v25+s15+$0x0] =	vst.idx.msk $0xffff, v27  }
0x4d: {  	_ =	sdelay $0x3  }
0x4e: {  	v25 =	vadd.s32 s26, v1;
	v24 =	vand.u32 $0x3F, v24;
	v9 =	vld.idx.msk [tilespmem:v9+s12+$0x0], $0xffff;
	[tilespmem:v5+s15+$0x0] =	vst.idx.msk $0xffff, v11  }
0x4f: {  	v26 =	vor.u32 v2, v18;
	v20 =	vld.idx.msk [tilespmem:v20+s12+$0x0], $0xffff;
	v10 =	vshll.u32 v10, $0x7;
	[tilespmem:v4+s15+$0x0] =	vst.idx.msk $0xffff, v12;
	v54 =	vshll.u32 v13, $0x7  }
0x50: {  	v55 =	vld.idx.msk [tilespmem:v21+s12+$0x0], $0xffff;
	v52 =	vand.u32 $0x3F, v25;
	v53 =	vor.u32 v2, v24;
	v10 =	vadd.s32 v1, v10  }
0x51: {  	v57 =	vshll.u32 v16, $0x7;
	v4 =	vadd.s32 v1, v54;
	v2 =	vor.u32 v2, v52;
	[tilespmem:v3+s15+$0x0] =	vst.idx.msk $0xffff, v15  }
0x52: {  	v56 =	vshll.u32 v14, $0x7;
	v58 =	vld.idx.msk [tilespmem:v23+s12+$0x0], $0xffff;
	v14 =	vadd.s32 v1, v57;
	[tilespmem:v6+s15+$0x0] =	vst.idx.msk $0xffff, v17  }
0x53: {  	v59 =	vshll.u32 v18, $0x7;
	v13 =	vadd.s32 v1, v56;
	v3 =	vld.idx.msk [tilespmem:v22+s12+$0x0], $0xffff;
	[tilespmem:v7+s15+$0x0] =	vst.idx.msk $0xffff, v19  }
0x54: {  	v61 =	vshll.u32 v24, $0x7;
	v15 =	vadd.s32 v1, v59;
	v60 =	vld.idx.msk [tilespmem:v26+s12+$0x0], $0xffff;
	[tilespmem:v8+s15+$0x0] =	vst.idx.msk $0xffff, v9  }
0x55: {  	s24 =	sadd.s32 $0x1, s24;
	v5 =	vshll.u32 v52, $0x7;
	v63 =	vadd.s32 v1, v61;
	v62 =	vld.idx.msk [tilespmem:v53+s12+$0x0], $0xffff;
	[tilespmem:v10+s15+$0x0] =	vst.idx.msk $0xffff, v20  }
0x56: {  	p1 =	sne.s32 s24, $0x8;
	v1 =	vadd.s32 v1, v5;
	[tilespmem:v4+s15+$0x0] =	vst.idx.msk $0xffff, v55;
	v2 =	vld.idx.msk [tilespmem:v2+s12+$0x0], $0xffff  }
.Ltmp1:
0x57: {  	[tilespmem:v14+s15+$0x0] =	vst.idx.msk $0xffff, v58;
	(pc) =	sbr.rel @p1 .LBB2_3-.Ltmp1, $4  }
0x58: {  	[tilespmem:v13+s15+$0x0] =	vst.idx.msk $0xffff, v3  }
0x59: {  	[tilespmem:v15+s15+$0x0] =	vst.idx.msk $0xffff, v60  }
0x5a: {  	[tilespmem:v63+s15+$0x0] =	vst.idx.msk $0xffff, v62  }
0x5b: {  	[tilespmem:v1+s15+$0x0] =	vst.idx.msk $0xffff, v2  }
0x5c: {  	p1 =	sne.s32 s21, $0x63  }
.Ltmp2:
0x5d: {  	s23 =	sshll.u32 s21, $0x13;
	(pc) =	sbr.rel @p1 .LBB2_8-.Ltmp2, $4  }
0x5e: {  	s23 =	sor.u32 s4, s23  }
0x5f: {  	s23 =	sshrl.u32 s23, $0x3  }
0x60: {  	s23 =	sadd.s32 s1, s23  }
0x61: {  	[hbm4b:s23+s8] =	stream.strided.scatter [tilespmem:s15], [sflag:$0x3], $0x2000, s9, s8, $0x38;
	[tilespmem:$0x12400] =	vst v63  }
.Ltmp3:
0x62: {  	(pc) =	sbr.rel .LBB2_9-.Ltmp3, $4  }
0x63: {  	_ = 	snop  }
0x64: {  	_ =	swait.ge [sflag:s16], $0x4000  }
0x65: {  	[sflag:s16] =	ssyncset.done $0x0  }
0x66: {  	[sflag:s16] =	ssyncadd.s32 $0xFFFFC000  }
.LBB2_8:
0x67: {  	s23 =	sshll.u32 s21, $0x8  }
0x68: {  	s23 =	sand.u32 $0x3FFFFF00, s23  }
.Ltmp4:
0x69: {  	s23 =	sadd.s32 $0x100, s23;
	(pc) =	sbr.rel @p0 .LBB2_10-.Ltmp4, $4  }
0x6a: {  	[tilespmem:s12], [sflag:$0x1] =	stream.indirect.gather [hbm4b:s5+s11], $0x80, s23, s11, $0xb8;
	[tilespmem:$0x12400] =	vst v63  }
0x6b: {  	_ =	swait.ge [sflag:s16], $0x4000  }
0x6c: {  	[sflag:s16] =	ssyncset.done $0x0  }
0x6d: {  	[sflag:s16] =	ssyncadd.s32 $0xFFFFC000  }
.LBB2_9:
0x6e: {  	_ =	swait.ge [sflag:s17], $0x2000  }
0x6f: {  	[sflag:s17] =	ssyncset.done $0x0  }
0x70: {  	[sflag:s17] =	ssyncadd.s32 $0xFFFFE000  }
.LBB2_10:
0x71: {  	s21 =	sadd.s32 $0x1, s21;
	s23 =	simm.s32 $0x0;
	s24 =	simm.s32 $0x0  }
.LBB2_11:
0x72: {  	s25 =	sshll.u32 s24, $0x4  }
0x73: {  	v1 =	vor.u32 s25, v0  }
0x74: {  	s29 =	simm.s32 $0xF;
	v3 =	vadd.s32 s23, v1  }
0x75: {  	s28 =	simm.s32 $0xB;
	v2 =	vshll.u32 v1, $0x7;
	v4 =	vadd.s32 s29, v1;
	v3 =	vand.u32 $0x3F, v3  }
0x76: {  	s30 =	simm.s32 $0xE;
	v9 =	vadd.s32 s28, v1;
	v5 =	vshll.u32 v3, $0x7;
	v6 =	vor.u32 v2, v3  }
0x77: {  	v3 =	vand.u32 $0x3F, v4;
	v4 =	vadd.s32 s30, v1;
	v14 =	vadd.s32 v1, v5  }
0x78: {  	s31 =	simm.s32 $0xD;
	v5 =	vshll.u32 v3, $0x7;
	v4 =	vand.u32 $0x3F, v4;
	v7 =	vor.u32 v2, v3  }
0x79: {  	s26 =	simm.s32 $0xC;
	v3 =	vadd.s32 s31, v1;
	v18 =	vadd.s32 v1, v5;
	v8 =	vor.u32 v2, v4  }
0x7a: {  	s31 =	simm.s32 $0x8;
	v4 =	vshll.u32 v4, $0x7;
	v5 =	vadd.s32 s26, v1;
	v3 =	vand.u32 $0x3F, v3  }
0x7b: {  	v13 =	vadd.s32 s31, v1;
	v25 =	vadd.s32 v1, v4;
	v4 =	vand.u32 $0x3F, v5  }
0x7c: {  	v10 =	vor.u32 v2, v3;
	v3 =	vshll.u32 v3, $0x7;
	v13 =	vand.u32 $0x3F, v13  }
0x7d: {  	s29 =	simm.s32 $0xA;
	v11 =	vshll.u32 v4, $0x7;
	v5 =	vadd.s32 v1, v3;
	v3 =	vand.u32 $0x3F, v9  }
0x7e: {  	s30 =	simm.s32 $0x9;
	v12 =	vor.u32 v2, v4;
	v9 =	vadd.s32 s29, v1;
	v4 =	vadd.s32 v1, v11  }
0x7f: {  	s29 =	simm.s32 $0x5;
	v15 =	vor.u32 v2, v3;
	v3 =	vshll.u32 v3, $0x7;
	v11 =	vadd.s32 s30, v1  }
0x80: {  	v9 =	vand.u32 $0x3F, v9;
	v21 =	vadd.s32 s29, v1;
	v3 =	vadd.s32 v1, v3  }
0x81: {  	v16 =	vld.idx.msk [tilespmem:v6+s14+$0x0], $0xffff;
	v11 =	vand.u32 $0x3F, v11;
	v17 =	vor.u32 v2, v9;
	v9 =	vshll.u32 v9, $0x7  }
0x82: {  	s26 =	simm.s32 $0x7;
	v23 =	vld.idx.msk [tilespmem:v7+s14+$0x0], $0xffff;
	v19 =	vshll.u32 v11, $0x7;
	v6 =	vadd.s32 v1, v9;
	v26 =	vor.u32 v2, v11  }
0x83: {  	s28 =	simm.s32 $0x6;
	v27 =	vld.idx.msk [tilespmem:v8+s14+$0x0], $0xffff;
	v8 =	vadd.s32 s26, v1;
	v9 =	vor.u32 v2, v13;
	v13 =	vshll.u32 v13, $0x7  }
0x84: {  	v7 =	vadd.s32 v1, v19;
	v11 =	vld.idx.msk [tilespmem:v10+s14+$0x0], $0xffff;
	v19 =	vadd.s32 s28, v1;
	v10 =	vand.u32 $0x3F, v8  }
0x85: {  	s30 =	simm.s32 $0x4;
	v8 =	vadd.s32 v1, v13;
	v12 =	vld.idx.msk [tilespmem:v12+s14+$0x0], $0xffff;
	v13 =	vand.u32 $0x3F, v19;
	v20 =	vor.u32 v2, v10  }
0x86: {  	s31 =	simm.s32 $0x3;
	[tilespmem:v14+s18+$0x0] =	vst.idx.msk $0xffff, v16;
	v16 =	vadd.s32 s30, v1;
	v14 =	vand.u32 $0x3F, v21;
	v21 =	vor.u32 v2, v13;
	v15 =	vld.idx.msk [tilespmem:v15+s14+$0x0], $0xffff  }
0x87: {  	s28 =	simm.s32 $0x2;
	v19 =	vadd.s32 s31, v1;
	v16 =	vand.u32 $0x3F, v16;
	v22 =	vor.u32 v2, v14;
	v17 =	vld.idx.msk [tilespmem:v17+s14+$0x0], $0xffff;
	[tilespmem:v18+s18+$0x0] =	vst.idx.msk $0xffff, v23  }
0x88: {  	s25 =	simm.s32 $0x10;
	s26 =	simm.s32 $0x1;
	v24 =	vadd.s32 s28, v1;
	v18 =	vand.u32 $0x3F, v19;
	v23 =	vor.u32 v2, v16;
	v19 =	vld.idx.msk [tilespmem:v26+s14+$0x0], $0xffff;
	[tilespmem:v25+s18+$0x0] =	vst.idx.msk $0xffff, v27  }
.LBB2_12:
0x89: {  	p0 =	slt.u32 s25, $0x30;
	v25 =	vadd.s32 s26, v1;
	v24 =	vand.u32 $0x3F, v24;
	v26 =	vor.u32 v2, v18;
	v9 =	vld.idx.msk [tilespmem:v9+s14+$0x0], $0xffff;
	[tilespmem:v5+s18+$0x0] =	vst.idx.msk $0xffff, v11  }
0x8a: {  	v10 =	vshll.u32 v10, $0x7;
	v5 =	vand.u32 $0x3F, v25;
	v11 =	vor.u32 v2, v24;
	v20 =	vld.idx.msk [tilespmem:v20+s14+$0x0], $0xffff;
	[tilespmem:v4+s18+$0x0] =	vst.idx.msk $0xffff, v12  }
0x8b: {  	v13 =	vshll.u32 v13, $0x7;
	v10 =	vadd.s32 v1, v10;
	v4 =	vor.u32 v2, v5;
	v12 =	vld.idx.msk [tilespmem:v21+s14+$0x0], $0xffff  }
0x8c: {  	v14 =	vshll.u32 v14, $0x7;
	v13 =	vadd.s32 v1, v13;
	v21 =	vld.idx.msk [tilespmem:v22+s14+$0x0], $0xffff;
	[tilespmem:v3+s18+$0x0] =	vst.idx.msk $0xffff, v15  }
0x8d: {  	v16 =	vshll.u32 v16, $0x7;
	v14 =	vadd.s32 v1, v14;
	v3 =	vadd.s32 s25, v1;
	v15 =	vld.idx.msk [tilespmem:v23+s14+$0x0], $0xffff;
	[tilespmem:v6+s18+$0x0] =	vst.idx.msk $0xffff, v17  }
0x8e: {  	v16 =	vadd.s32 v1, v16;
	v3 =	vand.u32 $0x3F, v3;
	v17 =	vshll.u32 v18, $0x7;
	v6 =	vld.idx.msk [tilespmem:v26+s14+$0x0], $0xffff;
	[tilespmem:v7+s18+$0x0] =	vst.idx.msk $0xffff, v19  }
0x8f: {  	s26 =	sadd.s32 $0xF, s25;
	v18 =	vshll.u32 v24, $0x7;
	v7 =	vshll.u32 v3, $0x7;
	v17 =	vadd.s32 v1, v17;
	v11 =	vld.idx.msk [tilespmem:v11+s14+$0x0], $0xffff;
	[tilespmem:v8+s18+$0x0] =	vst.idx.msk $0xffff, v9  }
0x90: {  	v5 =	vshll.u32 v5, $0x7;
	v8 =	vadd.s32 s26, v1;
	v9 =	vadd.s32 v1, v18;
	v4 =	vld.idx.msk [tilespmem:v4+s14+$0x0], $0xffff;
	[tilespmem:v10+s18+$0x0] =	vst.idx.msk $0xffff, v20  }
0x91: {  	v5 =	vadd.s32 v1, v5;
	s26 =	sadd.s32 $0xE, s25;
	v10 =	vor.u32 v2, v3;
	v3 =	vand.u32 $0x3F, v8;
	[tilespmem:v13+s18+$0x0] =	vst.idx.msk $0xffff, v12  }
0x92: {  	v18 =	vadd.s32 v1, v7;
	v7 =	vadd.s32 s26, v1;
	v8 =	vshll.u32 v3, $0x7;
	[tilespmem:v14+s18+$0x0] =	vst.idx.msk $0xffff, v21  }
0x93: {  	s26 =	sadd.s32 $0xD, s25;
	v7 =	vand.u32 $0x3F, v7;
	v12 =	vor.u32 v2, v3;
	v19 =	vadd.s32 v1, v8;
	[tilespmem:v16+s18+$0x0] =	vst.idx.msk $0xffff, v15  }
0x94: {  	s28 =	sadd.s32 $0xC, s25;
	v3 =	vadd.s32 s26, v1;
	v8 =	vor.u32 v2, v7;
	v7 =	vshll.u32 v7, $0x7;
	[tilespmem:v17+s18+$0x0] =	vst.idx.msk $0xffff, v6  }
0x95: {  	v3 =	vand.u32 $0x3F, v3;
	v25 =	vadd.s32 v1, v7;
	v6 =	vadd.s32 s28, v1;
	[tilespmem:v9+s18+$0x0] =	vst.idx.msk $0xffff, v11  }
0x96: {  	s26 =	sadd.s32 $0xB, s25;
	v6 =	vand.u32 $0x3F, v6;
	v11 =	vor.u32 v2, v3;
	v3 =	vshll.u32 v3, $0x7;
	[tilespmem:v5+s18+$0x0] =	vst.idx.msk $0xffff, v4  }
0x97: {  	v4 =	vadd.s32 s26, v1;
	v7 =	vshll.u32 v6, $0x7;
	v5 =	vadd.s32 v1, v3  }
0x98: {  	s26 =	sadd.s32 $0xA, s25;
	v13 =	vor.u32 v2, v6;
	v3 =	vand.u32 $0x3F, v4;
	v4 =	vadd.s32 v1, v7  }
0x99: {  	s28 =	sadd.s32 $0x9, s25;
	v6 =	vadd.s32 s26, v1;
	v15 =	vor.u32 v2, v3;
	v3 =	vshll.u32 v3, $0x7  }
0x9a: {  	v7 =	vadd.s32 s28, v1;
	v6 =	vand.u32 $0x3F, v6;
	v3 =	vadd.s32 v1, v3  }
0x9b: {  	s26 =	sadd.s32 $0x8, s25;
	v7 =	vand.u32 $0x3F, v7;
	v17 =	vor.u32 v2, v6;
	v6 =	vshll.u32 v6, $0x7;
	v14 =	vld.idx.msk [tilespmem:v10+s14+$0x0], $0xffff  }
0x9c: {  	v9 =	vadd.s32 s26, v1;
	v6 =	vadd.s32 v1, v6;
	v10 =	vshll.u32 v7, $0x7;
	v23 =	vld.idx.msk [tilespmem:v12+s14+$0x0], $0xffff  }
0x9d: {  	s26 =	sadd.s32 $0x7, s25;
	v26 =	vor.u32 v2, v7;
	v12 =	vand.u32 $0x3F, v9;
	v7 =	vadd.s32 v1, v10;
	v27 =	vld.idx.msk [tilespmem:v8+s14+$0x0], $0xffff  }
0x9e: {  	s28 =	sadd.s32 $0x6, s25;
	v8 =	vadd.s32 s26, v1;
	v9 =	vor.u32 v2, v12;
	v12 =	vshll.u32 v12, $0x7;
	v11 =	vld.idx.msk [tilespmem:v11+s14+$0x0], $0xffff  }
.Ltmp5:
0x9f: {  	v16 =	vadd.s32 s28, v1;
	s26 =	sadd.s32 $0x5, s25;
	v10 =	vand.u32 $0x3F, v8;
	v8 =	vadd.s32 v1, v12;
	v12 =	vld.idx.msk [tilespmem:v13+s14+$0x0], $0xffff;
	(pc) =	sbr.rel @p0 .LBB2_12-.Ltmp5, $4  }
0xa0: {  	s28 =	sadd.s32 $0x4, s25;
	v21 =	vadd.s32 s26, v1;
	v13 =	vand.u32 $0x3F, v16;
	v20 =	vor.u32 v2, v10  }
0xa1: {  	s26 =	sadd.s32 $0x3, s25;
	v16 =	vadd.s32 s28, v1;
	[tilespmem:v18+s18+$0x0] =	vst.idx.msk $0xffff, v14;
	v14 =	vand.u32 $0x3F, v21;
	v21 =	vor.u32 v2, v13;
	v15 =	vld.idx.msk [tilespmem:v15+s14+$0x0], $0xffff  }
0xa2: {  	s28 =	sadd.s32 $0x2, s25;
	v16 =	vand.u32 $0x3F, v16;
	v18 =	vadd.s32 s26, v1;
	v22 =	vor.u32 v2, v14;
	v17 =	vld.idx.msk [tilespmem:v17+s14+$0x0], $0xffff;
	[tilespmem:v19+s18+$0x0] =	vst.idx.msk $0xffff, v23  }
0xa3: {  	v24 =	vadd.s32 s28, v1;
	s26 =	sadd.s32 $0x1, s25;
	s25 =	sadd.s32 $0x10, s25;
	v18 =	vand.u32 $0x3F, v18;
	v23 =	vor.u32 v2, v16;
	v19 =	vld.idx.msk [tilespmem:v26+s14+$0x0], $0xffff;
	[tilespmem:v25+s18+$0x0] =	vst.idx.msk $0xffff, v27  }
0xa4: {  	_ =	sdelay $0x3  }
0xa5: {  	v25 =	vadd.s32 s26, v1;
	v24 =	vand.u32 $0x3F, v24;
	v9 =	vld.idx.msk [tilespmem:v9+s14+$0x0], $0xffff;
	[tilespmem:v5+s18+$0x0] =	vst.idx.msk $0xffff, v11  }
0xa6: {  	v26 =	vor.u32 v2, v18;
	v20 =	vld.idx.msk [tilespmem:v20+s14+$0x0], $0xffff;
	v10 =	vshll.u32 v10, $0x7;
	[tilespmem:v4+s18+$0x0] =	vst.idx.msk $0xffff, v12;
	v54 =	vshll.u32 v13, $0x7  }
0xa7: {  	v55 =	vld.idx.msk [tilespmem:v21+s14+$0x0], $0xffff;
	v52 =	vand.u32 $0x3F, v25;
	v53 =	vor.u32 v2, v24;
	v10 =	vadd.s32 v1, v10  }
0xa8: {  	v57 =	vshll.u32 v16, $0x7;
	v4 =	vadd.s32 v1, v54;
	v2 =	vor.u32 v2, v52;
	[tilespmem:v3+s18+$0x0] =	vst.idx.msk $0xffff, v15  }
0xa9: {  	v56 =	vshll.u32 v14, $0x7;
	v58 =	vld.idx.msk [tilespmem:v23+s14+$0x0], $0xffff;
	v14 =	vadd.s32 v1, v57;
	[tilespmem:v6+s18+$0x0] =	vst.idx.msk $0xffff, v17  }
0xaa: {  	v59 =	vshll.u32 v18, $0x7;
	v13 =	vadd.s32 v1, v56;
	v3 =	vld.idx.msk [tilespmem:v22+s14+$0x0], $0xffff;
	[tilespmem:v7+s18+$0x0] =	vst.idx.msk $0xffff, v19  }
0xab: {  	v61 =	vshll.u32 v24, $0x7;
	v15 =	vadd.s32 v1, v59;
	v60 =	vld.idx.msk [tilespmem:v26+s14+$0x0], $0xffff;
	[tilespmem:v8+s18+$0x0] =	vst.idx.msk $0xffff, v9  }
0xac: {  	s24 =	sadd.s32 $0x1, s24;
	v5 =	vshll.u32 v52, $0x7;
	v63 =	vadd.s32 v1, v61;
	v62 =	vld.idx.msk [tilespmem:v53+s14+$0x0], $0xffff;
	[tilespmem:v10+s18+$0x0] =	vst.idx.msk $0xffff, v20  }
0xad: {  	p0 =	sne.s32 s24, $0x8;
	v1 =	vadd.s32 v1, v5;
	[tilespmem:v4+s18+$0x0] =	vst.idx.msk $0xffff, v55;
	v2 =	vld.idx.msk [tilespmem:v2+s14+$0x0], $0xffff  }
.Ltmp6:
0xae: {  	[tilespmem:v14+s18+$0x0] =	vst.idx.msk $0xffff, v58;
	(pc) =	sbr.rel @p0 .LBB2_11-.Ltmp6, $4  }
0xaf: {  	[tilespmem:v13+s18+$0x0] =	vst.idx.msk $0xffff, v3  }
0xb0: {  	[tilespmem:v15+s18+$0x0] =	vst.idx.msk $0xffff, v60  }
0xb1: {  	[tilespmem:v63+s18+$0x0] =	vst.idx.msk $0xffff, v62  }
0xb2: {  	[tilespmem:v1+s18+$0x0] =	vst.idx.msk $0xffff, v2  }
0xb3: {  	p0 =	sne.s32 s21, $0x64  }
.Ltmp7:
0xb4: {  	s22 =	sshll.u32 s22, $0x12;
	(pc) =	sbr.rel @p0 .LBB2_2-.Ltmp7, $4  }
0xb5: {  	s22 =	sor.u32 s4, s22  }
0xb6: {  	s22 =	sshrl.u32 s22, $0x3  }
0xb7: {  	s22 =	sadd.s32 s1, s22  }
0xb8: {  	[hbm4b:s22+s8] =	stream.strided.scatter [tilespmem:s18], [sflag:$0x4], $0x2000, s9, s8, $0x38;
	[tilespmem:$0x12400] =	vst v63  }
0xb9: {  	s20 =	sadd.s32 $0x1, s20  }
0xba: {  	_ =	swait.ge [sflag:s19], $0x2000;
	p0 =	sne.s32 s20, s7  }
.Ltmp8:
0xbb: {  	[sflag:s19] =	ssyncset.done $0x0;
	(pc) =	sbr.rel @p0 .LBB2_1-.Ltmp8, $4  }
0xbc: {  	[sflag:s19] =	ssyncadd.s32 $0xFFFFE000  }
0xbd: {  	_ =	swait.ge [sflag:s17], $0x2000  }
0xbe: {  	[sflag:s17] =	ssyncset.done $0x0  }
0xbf: {  	[sflag:s17] =	ssyncadd.s32 $0xFFFFE000  }
0xc0: {  	_ =	sfence.sel $0x180000  }
0xc1: {  	[bflag:$0x0] =	sbarrier.arrive $0xFFFF  }
0xc2: {  	p0 =	sne.s32 s2, $0x0;
	_ =	strace $0x90000047  }
0xc3: {  	s0 =	sadd.s32 @!p0 $0x100000, s0;
	[bflag:$0x2] =	sbarrier.arrive $0xFFFF  }
0xc4: {  	[sflag:s0] =	ssyncadd.tile.s32 @!p0 $0x1;
	_ =	shalt  }
.Lfunc_end2:
_tile_overlayer_lowered:
.L_overlay_start_2:
0xc5: {  	(tag) =	ssettag $0x2  }
0xc6: {  	s0 =	rddreg [dreg:$0x0];
	s2 =	stileid.u32  }
0xc7: {  	s1 =	rddreg [dreg:$0x1];
	p0 =	sne.s32 s2, $0x0  }
0xc8: {  	s3 =	rddreg [dreg:$0x2];
	[bflag:$0x3] =	sbarrier.arrive $0xFFFF;
	s2 =	simm.s32 @!p0 $0x1C05  }
0xc9: {  	[timem:s3], [sflag:s2] =	dma.local @!p0 [hbm:s0], s1  }
0xca: {  	s0 =	simm.s32 @!p0 $0x5  }
0xcb: {  	_ =	swait.ge @!p0 [sflag:s0], s1  }
0xcc: {  	s1 =	ssub.s32 @!p0 $0x0, s1;
	[sflag:s0] =	ssyncset.done @!p0 $0x0  }
0xcd: {  	[sflag:s0] =	ssyncadd.s32 @!p0 s1  }
0xce: {  	[bflag:$0x3] =	sbarrier.arrive $0xFFFF  }
0xcf: {  	_ =	shalt  }

</sc_bundles>
